<compile_context>
chip_gen: v7x
topology: tpu7x:2x2x1
jax: 0.10.2.dev20260603
libtpu: 0.0.44.dev20260713+nightly
codegen_flags: <defaults>
</compile_context>

<pallas_src>
import functools

import jax
import jax.numpy as jnp
from jax import lax
from jax.experimental import pallas as pl
from jax.experimental.pallas import tpu as pltpu
from jax.experimental.pallas import tpu_sc as plsc

_N = 10000
_E = 320000
_NPAD = 10112
_NC = 2
_NS = 16
_NW = _NC * _NS
_EW = _E // _NW
def _batching(f):
    b = 72 if f == 128 else 80
    nb = -(-_EW // b)
    return b, nb
_RW = _NPAD // _NS

@functools.lru_cache(maxsize=1)
def _get_mesh():
    return plsc.VectorSubcoreMesh(core_axis_name="c", subcore_axis_name="s")




def _deg_body(srcm_hbm, ones_hbm, zeros_hbm, out_hbm, idx_v, ones_v, acc, sem,
              *, nb):
    c = lax.axis_index("c")
    s = lax.axis_index("s")
    wid = c * _NS + s
    r0 = pl.multiple_of(s * _RW, 8)
    pltpu.sync_copy(zeros_hbm.at[pl.ds(r0, _RW)], acc.at[pl.ds(r0, _RW)])
    pltpu.sync_copy(srcm_hbm.at[wid], idx_v)
    pltpu.sync_copy(ones_hbm, ones_v)
    plsc.subcore_barrier()

    def body(j, carry):
        pltpu.sync_copy(ones_v, acc.at[idx_v.at[j]], add=True)
        return carry

    lax.fori_loop(0, nb, body, 0)
    plsc.subcore_barrier()
    pltpu.sync_copy(acc.at[pl.ds(r0, _RW)], out_hbm.at[c].at[pl.ds(r0, _RW)])


@jax.jit
def _sc_degree(srcm, ones, zeros):
    b, nb = srcm.shape[-1], srcm.shape[-2]
    k = pl.kernel(
        functools.partial(_deg_body, nb=nb),
        mesh=_get_mesh(),
        compiler_params=pltpu.CompilerParams(use_tc_tiling_on_sc=False),
        out_type=jax.ShapeDtypeStruct((_NC, _NPAD, 16), jnp.float32),
        scratch_types=[
            pltpu.VMEM((nb, b), jnp.int32),
            pltpu.VMEM((b, 16), jnp.float32),
            pltpu.VMEM_SHARED((_NPAD, 16), jnp.float32),
            pltpu.SemaphoreType.DMA,
        ],
    )
    return k(srcm, ones, zeros)


def _scmul_body(t_hbm, gsrc_hbm, dst_hbm, zeros_hbm, out_hbm,
                sidx, didx, *rest, nb, depth):
    c = lax.axis_index("c")
    s = lax.axis_index("s")
    wid = c * _NS + s
    row0 = pl.multiple_of(s * _RW, 8)
    bufs = rest[:depth]
    acc = rest[depth]
    gsems = rest[depth + 1:]
    pltpu.sync_copy(zeros_hbm.at[pl.ds(row0, _RW)], acc.at[pl.ds(row0, _RW)])
    pltpu.sync_copy(gsrc_hbm.at[wid], sidx)
    pltpu.sync_copy(dst_hbm.at[wid], didx)
    plsc.subcore_barrier()

    def issue_g(j, m):
        pltpu.async_copy(t_hbm.at[sidx.at[j]], bufs[m], gsems[m])

    def wait_g(m):
        pltpu.make_async_copy(t_hbm.at[sidx.at[0]], bufs[m], gsems[m]).wait()

    for m in range(depth):
        issue_g(m, m)

    def slot(j, m):
        wait_g(m)
        pltpu.sync_copy(bufs[m], acc.at[didx.at[j]], add=True)

        @pl.when(j + depth < nb)
        def _():
            issue_g(j + depth, m)

    kk = nb // depth

    def body(k, carry):
        j = depth * k
        for m in range(depth):
            slot(j + m, m)
        return carry

    lax.fori_loop(0, kk, body, 0)
    for i in range(nb - depth * kk):
        j = depth * kk + i
        slot(j, j % depth)

    plsc.subcore_barrier()
    pltpu.sync_copy(acc.at[pl.ds(row0, _RW)], out_hbm.at[c].at[pl.ds(row0, _RW)])


@functools.partial(jax.jit, static_argnames=("f",))
def _sc_mul(t_pad, gsrc, dst, zeros, f):
    b, nb = gsrc.shape[-1], gsrc.shape[-2]
    depth = 3 if f == 128 else 4
    k = pl.kernel(
        functools.partial(_scmul_body, nb=nb, depth=depth),
        mesh=_get_mesh(),
        compiler_params=pltpu.CompilerParams(use_tc_tiling_on_sc=False),
        out_type=jax.ShapeDtypeStruct((_NC, _NPAD, f), jnp.float32),
        scratch_types=(
            [pltpu.VMEM((nb, b), jnp.int32),
             pltpu.VMEM((nb, b), jnp.int32)]
            + [pltpu.VMEM((b, f), jnp.float32)] * depth
            + [pltpu.VMEM_SHARED((_NPAD, f), jnp.float32)]
            + [pltpu.SemaphoreType.DMA] * depth
        ),
    )
    return k(t_pad, gsrc, dst, zeros)



_TC_PARAMS = pltpu.CompilerParams(vmem_limit_bytes=110 * 1024 * 1024)


def _tc1_body(x_ref, w_ref, degp_ref, u0_ref, u2_ref, vcat_ref, dis_ref):
    x = x_ref[...]
    deg = degp_ref[0, :_N, 0:1] + degp_ref[1, :_N, 0:1]
    dis = jnp.where(deg > 0.0, lax.rsqrt(jnp.maximum(deg, 1e-30)), 0.0)
    u0 = jnp.dot(x, w_ref[0], preferred_element_type=jnp.float32)
    u1 = jnp.dot(x, w_ref[1], preferred_element_type=jnp.float32)
    u2 = jnp.dot(x, w_ref[2], preferred_element_type=jnp.float32)
    u0_ref[...] = u0
    u2_ref[...] = u2
    vcat = dis * jnp.concatenate([u1, u2], axis=1)
    vcat_ref[...] = jnp.pad(vcat, ((0, _NPAD - _N), (0, 0)))
    dis_ref[...] = dis


@jax.jit
def _tc1(x, w1, deg_p):
    return pl.pallas_call(
        _tc1_body,
        compiler_params=_TC_PARAMS,
        out_shape=[
            jax.ShapeDtypeStruct((_N, 64), jnp.float32),
            jax.ShapeDtypeStruct((_N, 64), jnp.float32),
            jax.ShapeDtypeStruct((_NPAD, 128), jnp.float32),
            jax.ShapeDtypeStruct((_N, 1), jnp.float32),
        ],
    )(x, w1, deg_p)


def _tc_mid_body(qp_ref, dis_ref, w2s_ref, *, f):
    dis = dis_ref[...]
    q2 = qp_ref[0, :_N, f:] + qp_ref[1, :_N, f:]
    w2s_ref[...] = jnp.pad((dis * dis) * q2, ((0, _NPAD - _N), (0, 0)))


@functools.partial(jax.jit, static_argnames=("f",))
def _tc_mid(q_p, dis, f):
    return pl.pallas_call(
        functools.partial(_tc_mid_body, f=f),
        compiler_params=_TC_PARAMS,
        out_shape=jax.ShapeDtypeStruct((_NPAD, f), jnp.float32),
    )(q_p, dis)


def _tc3_body(u0_ref, u2_ref, qp_ref, rp_ref, dis_ref, b1_ref, w2_ref,
              u0p_ref, u2p_ref, vcatp_ref):
    dis = dis_ref[...]
    q1 = qp_ref[0, :_N, :64] + qp_ref[1, :_N, :64]
    r2 = rp_ref[0, :_N, :] + rp_ref[1, :_N, :]
    out1 = (u0_ref[...] - dis * q1 + 2.0 * (dis * r2) - u2_ref[...]
            + b1_ref[...])
    h = jnp.maximum(out1, 0.0)
    u0p = jnp.dot(h, w2_ref[0], preferred_element_type=jnp.float32)
    u1p = jnp.dot(h, w2_ref[1], preferred_element_type=jnp.float32)
    u2p = jnp.dot(h, w2_ref[2], preferred_element_type=jnp.float32)
    u0p_ref[...] = u0p
    u2p_ref[...] = u2p
    vcatp = dis * jnp.concatenate([u1p, u2p], axis=1)
    vcatp_ref[...] = jnp.pad(vcatp, ((0, _NPAD - _N), (0, 0)))


@jax.jit
def _tc3(u0, u2, q_p, r_p, dis, b1, w2):
    return pl.pallas_call(
        _tc3_body,
        compiler_params=_TC_PARAMS,
        out_shape=[
            jax.ShapeDtypeStruct((_N, 16), jnp.float32),
            jax.ShapeDtypeStruct((_N, 16), jnp.float32),
            jax.ShapeDtypeStruct((_NPAD, 32), jnp.float32),
        ],
    )(u0, u2, q_p, r_p, dis, b1[None, :], w2)


def _tc5_body(u0p_ref, u2p_ref, qp_ref, rp_ref, dis_ref, b2_ref, out_ref):
    dis = dis_ref[...]
    q1 = qp_ref[0, :_N, :16] + qp_ref[1, :_N, :16]
    r2 = rp_ref[0, :_N, :] + rp_ref[1, :_N, :]
    out_ref[...] = (u0p_ref[...] - dis * q1 + 2.0 * (dis * r2)
                    - u2p_ref[...] + b2_ref[...])


@jax.jit
def _tc5(u0p, u2p, qp_p, rp_p, dis, b2):
    return pl.pallas_call(
        _tc5_body,
        compiler_params=_TC_PARAMS,
        out_shape=jax.ShapeDtypeStruct((_N, 16), jnp.float32),
    )(u0p, u2p, qp_p, rp_p, dis, b2[None, :])




def kernel(x, edge_index, W1, b1, W2, b2):
    src = edge_index[0]
    dst = edge_index[1]
    gsrc = jnp.where(src != dst, src, _N)

    def batched(arr, f, dummy_spread):
        b, nb = _batching(f)
        padw = nb * b - _EW
        if dummy_spread:
            dummy = _N + ((jnp.arange(padw)[None, :]
                           + 7 * jnp.arange(_NW)[:, None]) % (_NPAD - _N))
            dummy = dummy.astype(arr.dtype)
            body2 = jnp.concatenate([arr.reshape(_NW, _EW), dummy], axis=1)
        else:
            body2 = jnp.pad(arr.reshape(_NW, _EW), ((0, 0), (0, padw)),
                            constant_values=_N)
        return body2.reshape(_NW, nb, b)

    gsrc_w = batched(gsrc, 128, False)
    dst_w = batched(dst, 128, True)
    gsrc_n = batched(gsrc, 64, False)
    dst_n = batched(dst, 64, True)

    ones16 = jnp.ones((_batching(64)[0], 16), jnp.float32)
    z16 = jnp.zeros((_NPAD, 16), jnp.float32)
    deg_p = _sc_degree(gsrc_n, ones16, z16)

    u0, u2, vcat, dis = _tc1(x, W1, deg_p)

    z128 = jnp.zeros((_NPAD, 128), jnp.float32)
    z64 = z128[:, :64]
    z32 = z128[:, :32]
    z16f = z128[:, :16]
    q_p = _sc_mul(vcat, gsrc_w, dst_w, z128, 128)
    w2s = _tc_mid(q_p, dis, 64)
    r_p = _sc_mul(w2s, gsrc_n, dst_n, z64, 64)

    u0p, u2p, vcatp = _tc3(u0, u2, q_p, r_p, dis, b1, W2)

    qp_p = _sc_mul(vcatp, gsrc_n, dst_n, z32, 32)
    w2sp = _tc_mid(qp_p, dis, 16)
    rp_p = _sc_mul(w2sp, gsrc_n, dst_n, z16f, 16)

    return _tc5(u0p, u2p, qp_p, rp_p, dis, b2)

# --- scband reference (transcript-rebuilt; emitter-appended) ---
"""Pipeline reference for scband-spec-branch-89601607729227 (READ-ONLY COPY).

The authoritative reference and input builder live on the scoring server;
editing this copy changes nothing except your own understanding.
"""

import jax, jax.numpy as jnp
import numpy as np

N = 10000
D_IN = 128
HIDDEN = 64
OUT = 16
K = 3
E = 320000


def _glorot(key, shape):
    fan_in, fan_out = shape[-2], shape[-1]
    limit = np.sqrt(6.0 / (fan_in + fan_out))
    return jax.random.uniform(key, shape, dtype=jnp.float32, minval=-limit, maxval=limit)


def setup_inputs(seed: int = 0) -> dict:
    key = jax.random.key(seed)
    ks = jax.random.split(key, 6)
    x = jax.random.normal(ks[0], (N, D_IN), dtype=jnp.float32)
    edge_index = jax.random.randint(ks[1], (2, E), 0, N, dtype=jnp.int32)
    W1 = _glorot(ks[2], (K, D_IN, HIDDEN))
    b1 = jnp.zeros((HIDDEN,), dtype=jnp.float32)
    W2 = _glorot(ks[3], (K, HIDDEN, OUT))
    b2 = jnp.zeros((OUT,), dtype=jnp.float32)
    return {"x": x, "edge_index": edge_index, "W1": W1, "b1": b1, "W2": W2, "b2": b2}


def cheb_conv(x, edge_index, Ws, b):
    # Faithful to PyG ChebConv with normalization='sym', lambda_max=2.0:
    # scaled Laplacian L_hat = 2L/lambda_max - I = -D^{-1/2} A D^{-1/2}
    src = edge_index[0]
    dst = edge_index[1]
    n = x.shape[0]
    # remove_self_loops: zero out self-loop edges
    w = jnp.where(src != dst, 1.0, 0.0).astype(x.dtype)
    deg = jax.ops.segment_sum(w, src, num_segments=n)
    dis = jnp.where(deg > 0, 1.0 / jnp.sqrt(deg), 0.0)
    norm = -dis[src] * w * dis[dst]

    def prop(t):
        # message: norm * t_j (gather at src), aggregate: scatter-add at dst
        return jax.ops.segment_sum(norm[:, None] * t[src], dst, num_segments=n)

    Tx0 = x
    out = Tx0 @ Ws[0]
    Tx1 = prop(x)
    out = out + Tx1 @ Ws[1]
    Tx_prev, Tx_cur = Tx0, Tx1
    for k in range(2, Ws.shape[0]):
        Tx_new = 2.0 * prop(Tx_cur) - Tx_prev
        out = out + Tx_new @ Ws[k]
        Tx_prev, Tx_cur = Tx_cur, Tx_new
    return out + b


def reference(x, edge_index, W1, b1, W2, b2):
    h = cheb_conv(x, edge_index, W1, b1)
    h = jax.nn.relu(h)
    return cheb_conv(h, edge_index, W2, b2)

if __name__ == "__main__":
    import jax
    _d = setup_inputs()
    print(jax.jit(kernel)(*tuple(_d.values())))

</pallas_src>

<mosaic_0001>
#map = affine_map<(d0, d1) -> (0, 0, 0)>
#map1 = affine_map<(d0, d1) -> (0, 0)>
module attributes {stable_mosaic.version = 14 : i64} {
  func.func @_deg_body(%arg0: i32, %arg1: i32, %arg2: memref<32x125x80xi32, #tpu.memory_space<hbm>>, %arg3: memref<80x16xf32, #tpu.memory_space<hbm>>, %arg4: memref<10112x16xf32, #tpu.memory_space<hbm>>, %arg5: memref<2x10112x16xf32, #tpu.memory_space<hbm>>, %arg6: memref<125x80xi32, #tpu.memory_space<vmem>>, %arg7: memref<80x16xf32, #tpu.memory_space<vmem>>, %arg8: memref<10112x16xf32, #tpu.memory_space<vmem_shared>>, %arg9: memref<!tpu.dma_semaphore, #tpu.memory_space<semaphore_mem>>) attributes {dimension_semantics = [#tpu.dimension_semantics<core_parallel>, #tpu.dimension_semantics<subcore_parallel>], iteration_bounds = array<i64: 2, 16>, scalar_prefetch = 0 : i64, scratch_operands = 4 : i64, tpu.core_type = #tpu.core_type<sc_vector_subcore>, window_params = [{transform_indices = #map}, {transform_indices = #map1}, {transform_indices = #map1}, {transform_indices = #map}]} {
    %mul3A = arith.constant 16 : i32
    %mul3A_0 = arith.muli %arg0, %mul3A : i32
    %add3A = arith.addi %mul3A_0, %arg1 : i32
    %mul3A_1 = arith.constant 632 : i32
    %mul3A_2 = arith.muli %arg1, %mul3A_1 : i32
    %multiple_of3A = tpu.assume_multiple %mul3A_2, 8 : i32
    "tpu.region"() ({
      %run_scoped3A = tpu.sem_alloc : memref<!tpu.dma_semaphore, #tpu.memory_space<semaphore_mem>>
      %dma_start3A = arith.constant 0 : i32
      %dma_start3A_9 = tpu.memref_slice %arg8[%multiple_of3A, %dma_start3A] : memref<10112x16xf32, #tpu.memory_space<vmem_shared>> -> memref<632x16xf32, #tpu.memory_space<vmem_shared>>
      %dma_start3A_10 = arith.constant 0 : i32
      %dma_start3A_11 = tpu.memref_slice %arg4[%multiple_of3A, %dma_start3A_10] : memref<10112x16xf32, #tpu.memory_space<hbm>> -> memref<632x16xf32, #tpu.memory_space<hbm>>
      tpu.enqueue_dma source(%dma_start3A_11 : memref<632x16xf32, #tpu.memory_space<hbm>>) target(%dma_start3A_9 : memref<632x16xf32, #tpu.memory_space<vmem_shared>>) target_semaphore(%run_scoped3A : memref<!tpu.dma_semaphore, #tpu.memory_space<semaphore_mem>>)
      %dma_wait3A = arith.constant 0 : i32
      %dma_wait3A_12 = tpu.memref_slice %arg8[%multiple_of3A, %dma_wait3A] : memref<10112x16xf32, #tpu.memory_space<vmem_shared>> -> memref<632x16xf32, #tpu.memory_space<vmem_shared>>
      %dma_wait3A_13 = arith.constant 0 : i32
      %dma_wait3A_14 = tpu.memref_slice %arg4[%multiple_of3A, %dma_wait3A_13] : memref<10112x16xf32, #tpu.memory_space<hbm>> -> memref<632x16xf32, #tpu.memory_space<hbm>>
      tpu.wait_dma2 semaphore(%run_scoped3A : memref<!tpu.dma_semaphore, #tpu.memory_space<semaphore_mem>>) src(%dma_wait3A_14 : memref<632x16xf32, #tpu.memory_space<hbm>>) dst(%dma_wait3A_12 : memref<632x16xf32, #tpu.memory_space<vmem_shared>>)
      tpu.yield
    }) : () -> ()
    "tpu.region"() ({
      %run_scoped3A = tpu.sem_alloc : memref<!tpu.dma_semaphore, #tpu.memory_space<semaphore_mem>>
      %dma_start3A = arith.constant 0 : i32
      %dma_start3A_9 = arith.constant 0 : i32
      %dma_start3A_10 = tpu.memref_slice %arg2[%add3A, %dma_start3A, %dma_start3A_9] : memref<32x125x80xi32, #tpu.memory_space<hbm>> -> memref<1x125x80xi32, #tpu.memory_space<hbm>>
      %dma_start3A_11 = tpu.memref_squeeze %dma_start3A_10 : memref<1x125x80xi32, #tpu.memory_space<hbm>> -> memref<125x80xi32, #tpu.memory_space<hbm>>
      %dma_start3A_12 = arith.constant 0 : i32
      %dma_start3A_13 = arith.constant 0 : i32
      %dma_start3A_14 = tpu.memref_slice %arg2[%add3A, %dma_start3A_12, %dma_start3A_13] : memref<32x125x80xi32, #tpu.memory_space<hbm>> -> memref<1x125x80xi32, #tpu.memory_space<hbm>>
      %dma_start3A_15 = tpu.memref_squeeze %dma_start3A_14 : memref<1x125x80xi32, #tpu.memory_space<hbm>> -> memref<125x80xi32, #tpu.memory_space<hbm>>
      tpu.enqueue_dma source(%dma_start3A_15 : memref<125x80xi32, #tpu.memory_space<hbm>>) target(%arg6 : memref<125x80xi32, #tpu.memory_space<vmem>>) target_semaphore(%run_scoped3A : memref<!tpu.dma_semaphore, #tpu.memory_space<semaphore_mem>>)
      %dma_wait3A = arith.constant 0 : i32
      %dma_wait3A_16 = arith.constant 0 : i32
      %dma_wait3A_17 = tpu.memref_slice %arg2[%add3A, %dma_wait3A, %dma_wait3A_16] : memref<32x125x80xi32, #tpu.memory_space<hbm>> -> memref<1x125x80xi32, #tpu.memory_space<hbm>>
      %dma_wait3A_18 = tpu.memref_squeeze %dma_wait3A_17 : memref<1x125x80xi32, #tpu.memory_space<hbm>> -> memref<125x80xi32, #tpu.memory_space<hbm>>
      %dma_wait3A_19 = arith.constant 0 : i32
      %dma_wait3A_20 = arith.constant 0 : i32
      %dma_wait3A_21 = tpu.memref_slice %arg2[%add3A, %dma_wait3A_19, %dma_wait3A_20] : memref<32x125x80xi32, #tpu.memory_space<hbm>> -> memref<1x125x80xi32, #tpu.memory_space<hbm>>
      %dma_wait3A_22 = tpu.memref_squeeze %dma_wait3A_21 : memref<1x125x80xi32, #tpu.memory_space<hbm>> -> memref<125x80xi32, #tpu.memory_space<hbm>>
      tpu.wait_dma2 semaphore(%run_scoped3A : memref<!tpu.dma_semaphore, #tpu.memory_space<semaphore_mem>>) src(%dma_wait3A_22 : memref<125x80xi32, #tpu.memory_space<hbm>>) dst(%arg6 : memref<125x80xi32, #tpu.memory_space<vmem>>)
      tpu.yield
    }) : () -> ()
    "tpu.region"() ({
      %run_scoped3A = tpu.sem_alloc : memref<!tpu.dma_semaphore, #tpu.memory_space<semaphore_mem>>
      tpu.enqueue_dma source(%arg3 : memref<80x16xf32, #tpu.memory_space<hbm>>) target(%arg7 : memref<80x16xf32, #tpu.memory_space<vmem>>) target_semaphore(%run_scoped3A : memref<!tpu.dma_semaphore, #tpu.memory_space<semaphore_mem>>)
      tpu.wait_dma2 semaphore(%run_scoped3A : memref<!tpu.dma_semaphore, #tpu.memory_space<semaphore_mem>>) src(%arg3 : memref<80x16xf32, #tpu.memory_space<hbm>>) dst(%arg7 : memref<80x16xf32, #tpu.memory_space<vmem>>)
      tpu.yield
    }) : () -> ()
    %barrier3A = arith.constant 0 : index
    tpu.barrier barrier_id(%barrier3A)
    %scan3A = arith.constant 0 : i32
    %scan3A_3 = arith.constant 0 : i32
    %scan3A_4 = arith.constant 125 : i32
    %scan3A_5 = arith.addi %scan3A_3, %scan3A_4 : i32
    %scan3A_6 = arith.constant 1 : i32
    scf.for %scan3A_9 = %scan3A_3 to %scan3A_5 step %scan3A_6  : i32 {
      "tpu.region"() ({
        %run_scoped3A = tpu.sem_alloc : memref<!tpu.dma_semaphore, #tpu.memory_space<semaphore_mem>>
        %dma_start3A = arith.constant 0 : i32
        %dma_start3A_10 = tpu.memref_slice %arg6[%scan3A_9, %dma_start3A] : memref<125x80xi32, #tpu.memory_space<vmem>> -> memref<1x80xi32, #tpu.memory_space<vmem>>
        %dma_start3A_11 = tpu.memref_squeeze %dma_start3A_10 : memref<1x80xi32, #tpu.memory_space<vmem>> -> memref<80xi32, #tpu.memory_space<vmem>>
        %dma_start3A_12 = arith.constant 0 : i32
        %dma_start3A_13 = arith.constant 0 : i32
        %dma_start3A_14 = tpu.memref_slice %arg8[%dma_start3A_12, %dma_start3A_13] : memref<10112x16xf32, #tpu.memory_space<vmem_shared>> -> memref<10112x16xf32, #tpu.memory_space<vmem_shared>>
        tpu.enqueue_indirect_dma source(%arg7 : memref<80x16xf32, #tpu.memory_space<vmem>>) target(%dma_start3A_14 : memref<10112x16xf32, #tpu.memory_space<vmem_shared>>) offsets(%dma_start3A_11 : memref<80xi32, #tpu.memory_space<vmem>>) semaphore(%run_scoped3A : memref<!tpu.dma_semaphore, #tpu.memory_space<semaphore_mem>>) {add = true}
        %dma_wait3A = arith.constant 0 : i32
        %dma_wait3A_15 = tpu.memref_slice %arg6[%scan3A_9, %dma_wait3A] : memref<125x80xi32, #tpu.memory_space<vmem>> -> memref<1x80xi32, #tpu.memory_space<vmem>>
        %dma_wait3A_16 = tpu.memref_squeeze %dma_wait3A_15 : memref<1x80xi32, #tpu.memory_space<vmem>> -> memref<80xi32, #tpu.memory_space<vmem>>
        %dma_wait3A_17 = arith.constant 0 : i32
        %dma_wait3A_18 = arith.constant 0 : i32
        %dma_wait3A_19 = tpu.memref_slice %arg8[%dma_wait3A_17, %dma_wait3A_18] : memref<10112x16xf32, #tpu.memory_space<vmem_shared>> -> memref<10112x16xf32, #tpu.memory_space<vmem_shared>>
        tpu.wait_indirect_dma semaphore(%run_scoped3A : memref<!tpu.dma_semaphore, #tpu.memory_space<semaphore_mem>>) src(%arg7 : memref<80x16xf32, #tpu.memory_space<vmem>>) dst(%dma_wait3A_19 : memref<10112x16xf32, #tpu.memory_space<vmem_shared>>)
        tpu.yield
      }) : () -> ()
    }
    %scan3A_7 = arith.constant 125 : i32
    %barrier3A_8 = arith.constant 0 : index
    tpu.barrier barrier_id(%barrier3A_8)
    "tpu.region"() ({
      %run_scoped3A = tpu.sem_alloc : memref<!tpu.dma_semaphore, #tpu.memory_space<semaphore_mem>>
      %dma_start3A = arith.constant 0 : i32
      %dma_start3A_9 = arith.constant 0 : i32
      %dma_start3A_10 = tpu.memref_slice %arg5[%arg0, %dma_start3A, %dma_start3A_9] : memref<2x10112x16xf32, #tpu.memory_space<hbm>> -> memref<1x10112x16xf32, #tpu.memory_space<hbm>>
      %dma_start3A_11 = tpu.memref_squeeze %dma_start3A_10 : memref<1x10112x16xf32, #tpu.memory_space<hbm>> -> memref<10112x16xf32, #tpu.memory_space<hbm>>
      %dma_start3A_12 = arith.constant 0 : i32
      %dma_start3A_13 = tpu.memref_slice %dma_start3A_11[%multiple_of3A, %dma_start3A_12] : memref<10112x16xf32, #tpu.memory_space<hbm>> -> memref<632x16xf32, #tpu.memory_space<hbm>>
      %dma_start3A_14 = arith.constant 0 : i32
      %dma_start3A_15 = tpu.memref_slice %arg8[%multiple_of3A, %dma_start3A_14] : memref<10112x16xf32, #tpu.memory_space<vmem_shared>> -> memref<632x16xf32, #tpu.memory_space<vmem_shared>>
      tpu.enqueue_dma source(%dma_start3A_15 : memref<632x16xf32, #tpu.memory_space<vmem_shared>>) target(%dma_start3A_13 : memref<632x16xf32, #tpu.memory_space<hbm>>) target_semaphore(%run_scoped3A : memref<!tpu.dma_semaphore, #tpu.memory_space<semaphore_mem>>)
      %dma_wait3A = arith.constant 0 : i32
      %dma_wait3A_16 = arith.constant 0 : i32
      %dma_wait3A_17 = tpu.memref_slice %arg5[%arg0, %dma_wait3A, %dma_wait3A_16] : memref<2x10112x16xf32, #tpu.memory_space<hbm>> -> memref<1x10112x16xf32, #tpu.memory_space<hbm>>
      %dma_wait3A_18 = tpu.memref_squeeze %dma_wait3A_17 : memref<1x10112x16xf32, #tpu.memory_space<hbm>> -> memref<10112x16xf32, #tpu.memory_space<hbm>>
      %dma_wait3A_19 = arith.constant 0 : i32
      %dma_wait3A_20 = tpu.memref_slice %dma_wait3A_18[%multiple_of3A, %dma_wait3A_19] : memref<10112x16xf32, #tpu.memory_space<hbm>> -> memref<632x16xf32, #tpu.memory_space<hbm>>
      %dma_wait3A_21 = arith.constant 0 : i32
      %dma_wait3A_22 = tpu.memref_slice %arg8[%multiple_of3A, %dma_wait3A_21] : memref<10112x16xf32, #tpu.memory_space<vmem_shared>> -> memref<632x16xf32, #tpu.memory_space<vmem_shared>>
      tpu.wait_dma2 semaphore(%run_scoped3A : memref<!tpu.dma_semaphore, #tpu.memory_space<semaphore_mem>>) src(%dma_wait3A_22 : memref<632x16xf32, #tpu.memory_space<vmem_shared>>) dst(%dma_wait3A_20 : memref<632x16xf32, #tpu.memory_space<hbm>>)
      tpu.yield
    }) : () -> ()
    return
  }
}

</mosaic_0001>

<sc_bundles>
// kernel: _sc_degree.3.cloned.1.call-start
scs
__scs_entry_jumppad:
0x0: {  	(pc) =	sbr.rel $0x88, $3  }
0x1: {  	(tag) =	ssettag $0x0;
	lr =	simm.s32 $0x1  }
0x2: {  	[smem:$0x3F9E] =	sst lr;
	_ =	strace $0xD0000000  }
0x3: {  	_ = 	snop  }
0x4: {  	_ = 	snop  }
0x5: {  	_ = 	snop  }
0x6: {  	_ = 	snop  }
0x7: {  	_ = 	snop  }
__scs_overlays_trampoline_lowered:
0x8: {  	[smem:$0x3FAD] =	sst s0  }
0x9: {  	[smem:$0x3FAE] =	sst s1  }
0xa: {  	[smem:$0x3FAF] =	sst s2  }
0xb: {  	[smem:$0x3FB0] =	sst s3  }
0xc: {  	[smem:$0x3FB1] =	sst s4  }
0xd: {  	[smem:$0x3FB2] =	sst s5  }
0xe: {  	[smem:$0x3FB3] =	sst s6  }
0xf: {  	[smem:$0x3FB4] =	sst s7  }
0x10: {  	[smem:$0x3FB5] =	sst s8  }
0x11: {  	[smem:$0x3FB6] =	sst s9;
	s0 =	simm.s32 @!p0 $0x0  }
0x12: {  	s1 =	sld [smem:$0x3F9C];
	s0 =	simm.s32 @p0 $0x1  }
0x13: {  	[smem:$0x3FB7] =	sst s0;
	s0 =	simm.s32 @!p1 $0x0  }
0x14: {  	s2 =	sld [smem:$0x3F9B];
	s0 =	simm.s32 @p1 $0x1  }
0x15: {  	[smem:$0x3FB8] =	sst s0;
	s0 =	simm.s32 @!p2 $0x0  }
0x16: {  	s3 =	sld [smem:$0x3FDB];
	s0 =	simm.s32 @p2 $0x1  }
0x17: {  	s4 =	simm.s32 $0x1BF5;
	[smem:$0x3FBA] =	sst s0  }
0x18: {  	s0 =	sld [smem:$0x3F9D];
	_ =	swait.ge [sflag:s4], $0x0  }
0x19: {  	s7 =	sld [smem:$0x3F9E]  }
0x1a: {  	s8 =	sadd.s32 $0xFFFFE003, lr  }
0x1b: {  	s9 =	sadd.s32 $0xFFFFFEF7, lr;
	s5 =	simm.s32 $0xFFFFFFFF;
	p2 =	slt.u32 s8, $0xFFFFF086  }
0x1c: {  	p1 =	slt.u32 s9, $0xF7A;
	s5 =	simm.s32 @!p2 $0x0  }
0x1d: {  	s5 =	simm.s32 @p1 $0x1;
	p0 =	seq.s32 s7, s2  }
0x1e: {  	s7 =	smul.u32 @!p0 $0xF7A, s2;
	p2 =	seq.s32 @!p0 s5, $0x0  }
0x1f: {  	s9 =	smul.u32 $0xF7A, s1;
	s8 =	simm.s32 @!p0 $0x1BF5;
	p2 =	por !p2, p0  }
0x20: {  	[sflag:s8] =	ssyncset.s32 @!p0 $0xFFFFF086;
	s6 =	sadd.s32 @!p0 s3, s7;
	s7 =	simm.s32 @!p0 $0x108  }
0x21: {  	s3 =	sadd.s32 s3, s9;
	s6 =	sadd.s32 @!p0 $0x88, s6;
	s7 =	simm.s32 @p2 $0x1082  }
0x22: {  	[simem:s7], [sflag:s8] =	dma.local @!p0 [hbm:s6], $0xF7A  }
0x23: {  	s9 =	sor.u32 $0xD0000000, s2;
	s6 =	simm.s32 $0x108;
	_ =	swait.ge @!p0 [sflag:s8], $0x0  }
0x24: {  	s3 =	sadd.s32 $0x88, s3;
	s6 =	simm.s32 @!p1 $0x1082;
	[sflag:s4] =	ssyncset.s32 $0xFFFFF086  }
0x25: {  	[simem:s6], [sflag:s4] =	dma.local [hbm:s3], $0xF7A  }
0x26: {  	[smem:$0x3F9E] =	sst s1;
	(tag) =	ssettag s2;
	_ =	strace s9  }
0x27: {  	s1 =	sld [smem:$0x3FAE]  }
0x28: {  	s2 =	sld [smem:$0x3FAF]  }
0x29: {  	s4 =	sld [smem:$0x3FB1]  }
0x2a: {  	p0 =	seq.s32 s5, $0x0;
	s5 =	sld [smem:$0x3FB2]  }
0x2b: {  	s6 =	sld [smem:$0x3FB3]  }
0x2c: {  	s7 =	sld [smem:$0x3FB4]  }
0x2d: {  	s3 =	simm.s32 $0x108;
	s8 =	sld [smem:$0x3FB5]  }
0x2e: {  	s3 =	simm.s32 @!p0 $0x1082;
	s9 =	sld [smem:$0x3FB6]  }
0x2f: {  	lr =	sadd.s32 s0, s3;
	s0 =	sld [smem:$0x3FAD]  }
0x30: {  	s3 =	sld [smem:$0x3FB0]  }
0x31: {  	[smem:$0x3FB9] =	sst s10  }
0x32: {  	s10 =	sld [smem:$0x3FB7];
	_ =	sdelay $0x3  }
0x33: {  	p0 =	seq.s32 s10, $0x1;
	s10 =	sld [smem:$0x3FB9];
	_ =	sdelay $0x3  }
0x34: {  	[smem:$0x3FB9] =	sst s10  }
0x35: {  	s10 =	sld [smem:$0x3FB8];
	_ =	sdelay $0x3  }
0x36: {  	p1 =	seq.s32 s10, $0x1;
	s10 =	sld [smem:$0x3FB9];
	_ =	sdelay $0x3  }
0x37: {  	[smem:$0x3FB9] =	sst s10  }
0x38: {  	s10 =	sld [smem:$0x3FBA]  }
0x39: {  	_ = 	snop;
	(pc) =	sbr.ind lr, $3  }
0x3a: {  	_ = 	snop  }
0x3b: {  	_ = 	snop  }
0x3c: {  	p2 =	seq.s32 s10, $0x1;
	s10 =	sld [smem:$0x3FB9]  }
0x3d: {  	_ =	shalt  }
0x3e: {  	_ =	shalt  }
0x3f: {  	_ =	shalt  }
0x40: {  	_ =	shalt  }
0x41: {  	_ =	shalt  }
0x42: {  	_ =	shalt  }
0x43: {  	_ =	shalt  }
0x44: {  	_ =	shalt  }
0x45: {  	_ =	shalt  }
0x46: {  	_ =	shalt  }
0x47: {  	_ =	shalt  }
0x48: {  	_ =	shalt  }
0x49: {  	_ =	shalt  }
0x4a: {  	_ =	shalt  }
0x4b: {  	_ =	shalt  }
0x4c: {  	_ =	shalt  }
0x4d: {  	_ =	shalt  }
0x4e: {  	_ =	shalt  }
0x4f: {  	_ =	shalt  }
0x50: {  	_ =	shalt  }
0x51: {  	_ =	shalt  }
0x52: {  	_ =	shalt  }
0x53: {  	_ =	shalt  }
0x54: {  	_ =	shalt  }
0x55: {  	_ =	shalt  }
0x56: {  	_ =	shalt  }
0x57: {  	_ =	shalt  }
0x58: {  	_ =	shalt  }
0x59: {  	_ =	shalt  }
0x5a: {  	_ =	shalt  }
0x5b: {  	_ =	shalt  }
0x5c: {  	_ =	shalt  }
0x5d: {  	_ =	shalt  }
0x5e: {  	_ =	shalt  }
0x5f: {  	_ =	shalt  }
0x60: {  	_ =	shalt  }
0x61: {  	_ =	shalt  }
0x62: {  	_ =	shalt  }
0x63: {  	_ =	shalt  }
0x64: {  	_ =	shalt  }
0x65: {  	_ =	shalt  }
0x66: {  	_ =	shalt  }
0x67: {  	_ =	shalt  }
0x68: {  	_ =	shalt  }
0x69: {  	_ =	shalt  }
0x6a: {  	_ =	shalt  }
0x6b: {  	_ =	shalt  }
0x6c: {  	_ =	shalt  }
0x6d: {  	_ =	shalt  }
0x6e: {  	_ =	shalt  }
0x6f: {  	_ =	shalt  }
0x70: {  	_ =	shalt  }
0x71: {  	_ =	shalt  }
0x72: {  	_ =	shalt  }
0x73: {  	_ =	shalt  }
0x74: {  	_ =	shalt  }
0x75: {  	_ =	shalt  }
0x76: {  	_ =	shalt  }
0x77: {  	_ =	shalt  }
0x78: {  	_ =	shalt  }
0x79: {  	_ =	shalt  }
0x7a: {  	_ =	shalt  }
0x7b: {  	_ =	shalt  }
0x7c: {  	_ =	shalt  }
0x7d: {  	_ =	shalt  }
0x7e: {  	_ =	shalt  }
0x7f: {  	_ =	shalt  }
0x80: {  	_ =	shalt  }
0x81: {  	_ =	shalt  }
0x82: {  	_ =	shalt  }
0x83: {  	_ =	shalt  }
0x84: {  	_ =	shalt  }
0x85: {  	_ =	shalt  }
0x86: {  	_ =	shalt  }
0x87: {  	_ =	shalt  }
.Lfunc_end0:
.L_simem_size_0:
called_computation_lowered:
.L_overlay_start_0:
0x88: {  	s2 =	sld [smem:$0x3FD9]  }
0x89: {  	s3 =	sld [smem:$0x3FFE];
	_ =	sdelay $0x1  }
0x8a: {  	s1 =	srdreg.scid  }
0x8b: {  	s0 =	sand.u32 $0x1, s1  }
0x8c: {  	s17 =	sshll.u32 s0, $0xA;
	s2 =	sadd.s32 s3, s2  }
0x8d: {  	s2 =	sadd.s32 s2, s17  }
0x8e: {  	[smem:$0x3FC5] =	sst s2  }
0x8f: {  	_ = 	snop  }
0x90: {  	s2 =	sld [smem:$0x3FD0];
	(tm) =	ssettm $0x1  }
0x91: {  	s18 =	sld [smem:$0x3FFB];
	_ =	sdelay $0x3  }
0x92: {  	_ =	strace s18  }
0x93: {  	s3 =	sld [smem:$0x3FFC];
	_ =	sdelay $0x3  }
0x94: {  	_ =	strace s3  }
0x95: {  	s3 =	sld [smem:$0x3FFD];
	_ =	sdelay $0x3  }
0x96: {  	_ =	strace s3  }
0x97: {  	_ =	strace $0x8FFFFFFF  }
0x98: {  	s19 =	sld [smem:$0x3FDB];
	_ =	sdelay $0x1  }
0x99: {  	s4 =	simm.s32 $_scs_section_size  }
0x9a: {  	s5 =	simm.s32 $_size__tile_overlayer_lowered;
	s6 =	simm.s32 $_tile_overlayer_lowered  }
0x9b: {  	s22 =	simm.s32 $0x1BFF;
	s21 =	sshll.u32 s6, $0x1;
	s3 =	sadd.s32 s4, s19  }
0x9c: {  	s7 =	simm.s32 $0x0;
	s20 =	sshll.u32 s5, $0x1;
	s5 =	sadd.s32 s21, s3  }
0x9d: {  	[timem:s7], [sflag:s22] =	dma.local [hbm:s5], s20  }
0x9e: {  	_ =	swait.ge [sflag:s22], s20  }
0x9f: {  	s4 =	ssub.s32 $0x0, s20;
	[sflag:s22] =	ssyncset.done $0x0  }
0xa0: {  	[sflag:s22] =	ssyncadd.s32 s4;
	_ =	sdelay $0x1  }
0xa1: {  	s23 =	simm.s32 $0x1B8B  }
0xa2: {  	_ =	swait.ge [sflag:s23], $0x1  }
0xa3: {  	[sflag:s23] =	ssyncset.done $0x0  }
0xa4: {  	s25 =	simm.s32 $0x1B8E;
	s24 =	sld [smem:$0x3FFE];
	[sflag:s23] =	ssyncadd.s32 $0xFFFFFFFF  }
0xa5: {  	s26 =	simm.s32 $execute0_lowered;
	[smem:$0x3FD2] =	sst s25  }
0xa6: {  	s5 =	sshll.u32 s26, $0x1;
	_ =	strace $0x80000046;
	[dreg:$0x1] =	wrdreg $0xFFFFFFFF  }
0xa7: {  	s28 =	simm.s32 $_size_execute0_lowered;
	s3 =	sadd.s32 s3, s5;
	[dreg:$0x0] =	wrdreg $0x0  }
0xa8: {  	s5 =	sshll.u32 s28, $0x1;
	[dreg:$0x2] =	wrdreg s3  }
0xa9: {  	[dreg:$0x3] =	wrdreg s5  }
0xaa: {  	[dreg:$0x4] =	wrdreg $0xC0  }
0xab: {  	_ =	task [dreg:s7], $0x5FFFF  }
0xac: {  	[dreg:$0x1] =	wrdreg $0xFFFFFFFF  }
0xad: {  	[dreg:$0x0] =	wrdreg $0x60  }
0xae: {  	[dreg:$0x2] =	wrdreg s24  }
0xaf: {  	[dreg:$0x3] =	wrdreg s2  }
0xb0: {  	[dreg:$0x4] =	wrdreg $0x2C100  }
0xb1: {  	[dreg:$0x5] =	wrdreg $0x9  }
0xb2: {  	_ =	task.clear_ibuf [dreg:s7], $0x6FFFF;
	_ =	strace $0x90000046  }
0xb3: {  	s29 =	simm.s32 $0x9;
	_ =	strace $0x80000048  }
0xb4: {  	_ =	swait.ge [sflag:s29], $0x1  }
0xb5: {  	[sflag:s29] =	ssyncadd.s32 $0xFFFFFFFF  }
0xb6: {  	_ =	strace $0x90000048  }
0xb7: {  	_ =	sfence  }
0xb8: {  	s30 =	sld [smem:$0x0];
	_ =	sdelay $0x2  }
0xb9: {  	s31 =	sshll.u32 s1, $0xD;
	s1 =	sshrl.u32 s1, $0x2  }
0xba: {  	s3 =	sand.u32 $0x4000, s31;
	s1 =	sadd.s32 s1, s30  }
0xbb: {  	s0 =	sor.u32 s3, s0;
	s1 =	sshll.u32 s1, $0x11  }
0xbc: {  	s0 =	sor.u32 s1, s0  }
0xbd: {  	s0 =	sadd.s32 $0x8F2B, s0  }
0xbe: {  	[sflag:s0] =	ssyncadd.remote.s32 $0x1  }
0xbf: {  	_ =	sfence.sel $0xFFFF  }
0xc0: {  	[dreg:$0x0] =	wrdreg $0xFFFFFFFF;
	(pc) =	sbr.abs _section_cstart, $3  }
0xc1: {  	[dreg:$0x1] =	wrdreg $0xFFFFFFFF  }
0xc2: {  	_ =	task.clear_ibuf [dreg:s7], $0x2FFFF;
	_ =	strace $0x9FFFFFFF  }
0xc3: {  	(tm) =	ssettm $0x7FFFFFFF  }
tec
execute0_lowered:
.L_overlay_start_1:
0x0: {  	(tag) =	ssettag $0x1  }
0x1: {  	s5 =	rddreg [dreg:$0x0]  }
0x2: {  	s8 =	rddreg [dreg:$0x1]  }
0x3: {  	s0 =	srdreg.scid;
	s2 =	rddreg [dreg:$0x2];
	s3 =	simm.s32 $0x0  }
0x4: {  	s6 =	sand.u32 $0x1, s0;
	s0 =	stileid.u32;
	[smem:$0x7FF] =	sst s3  }
0x5: {  	s1 =	sshll.u32 s6, $0x4;
	s7 =	smul.u32 $0x2780, s0;
	s10 =	ssub.s32 $0x2, s6  }
0x6: {  	s31 =	sshll.u32 s0, $0x6;
	s12 =	smul.u32 $0x4F00, s6;
	s4 =	sor.u32 s0, s1  }
0x7: {  	s1 =	rddreg [dreg:$0x3];
	_ =	strace $0x80000047;
	s11 =	sshrl.u32 s10, $0x1  }
0x8: {  	s6 =	sor.u32 $0x1C01, s31;
	s4 =	smul.u32 $0x4E2, s4;
	s13 =	sshrl.u32 s7, $0x3  }
0x9: {  	s10 =	ssub.s32 s10, s11;
	s14 =	sadd.s32 s7, s2;
	s15 =	sadd.s32 s8, s12  }
0xa: {  	s11 =	simm.s32 $0x2710;
	s12 =	simm.s32 $0x50;
	s8 =	smax.u32 s10, $0x1  }
0xb: {  	s9 =	sadd.s32 s4, s5;
	s4 =	sadd.s32 $0x600, s5;
	s5 =	sadd.s32 s13, s5  }
0xc: {  	s10 =	simm.s32 $0x1;
	s13 =	sadd.s32 s13, s15;
	s5 =	sadd.s32 $0xA600, s5  }
0xd: {  	s7 =	sadd.s32 $0x800, s9;
	s9 =	sshrl.u32 s14, $0x3;
	s14 =	simm.s32 $0x0  }
.LBB2_1:
0xe: {  	[spmem:s9], [sflag:s6] =	dma.local [hbm:s5], $0x4F0  }
0xf: {  	_ =	swait.ge [sflag:s10], $0x4F0  }
0x10: {  	[sflag:s10] =	ssyncset.done $0x0  }
0x11: {  	[sflag:s10] =	ssyncadd.s32 $0xFFFFFB10  }
0x12: {  	[tilespmem:s3], [sflag:$0x1] =	stream.linear.gather [hbm4b:s7+s3], $0x2710, $0x38;
	[tilespmem:$0x5390] =	vst v63  }
0x13: {  	_ =	swait.ge [sflag:s10], $0x2710  }
0x14: {  	[sflag:s10] =	ssyncset.done $0x0  }
0x15: {  	[sflag:s10] =	ssyncadd.s32 $0xFFFFD8F0  }
0x16: {  	[tilespmem:s11], [sflag:$0x1] =	stream.linear.gather [hbm4b:s4+s3], $0x500, $0x38;
	[tilespmem:$0x5390] =	vst v63  }
0x17: {  	_ =	swait.ge [sflag:s10], $0x500  }
0x18: {  	[sflag:s10] =	ssyncset.done $0x0  }
0x19: {  	[sflag:s10] =	ssyncadd.s32 $0xFFFFFB00  }
0x1a: {  	s15 =	simm.s32 $0x0;
	[bflag:$0x0] =	sbarrier.arrive $0xFFFF  }
0x1b: {  	[spmem:s2] =	stream.indirect.scatter.add.f32 [tilespmem:s11], [sflag:$0x1], $0x10, s15, s12, $0xb8;
	[tilespmem:$0x5390] =	vst v63  }
0x1c: {  	_ =	swait.ge [sflag:s10], $0x500  }
0x1d: {  	s15 =	simm.s32 $0x140;
	[sflag:s10] =	ssyncset.done $0x0  }
.LBB2_2:
0x1e: {  	s16 =	sshra.s32 s15, $0x2;
	[sflag:s10] =	ssyncadd.s32 $0xFFFFFB00;
	p0 =	sne.s32 s15, $0x9B00  }
0x1f: {  	[spmem:s2] =	stream.indirect.scatter.add.f32 [tilespmem:s11], [sflag:$0x1], $0x10, s16, s12, $0xb8;
	[tilespmem:$0x5390] =	vst v63  }
.Ltmp0:
0x20: {  	_ = 	snop;
	(pc) =	sbr.rel @p0 .LBB2_2-.Ltmp0, $4  }
0x21: {  	_ = 	snop  }
0x22: {  	s15 =	sadd.s32 $0x140, s15  }
0x23: {  	_ =	swait.ge [sflag:s10], $0x500  }
0x24: {  	[sflag:s10] =	ssyncset.done $0x0  }
0x25: {  	s14 =	sadd.s32 $0x1, s14  }
0x26: {  	[sflag:s10] =	ssyncadd.s32 $0xFFFFFB00;
	p0 =	sne.s32 s14, s8  }
.Ltmp1:
0x27: {  	[bflag:$0x0] =	sbarrier.arrive $0xFFFF;
	(pc) =	sbr.rel @p0 .LBB2_1-.Ltmp1, $4  }
0x28: {  	[hbm:s13], [sflag:s6] =	dma.local [spmem:s9], $0x4F0  }
0x29: {  	_ =	swait.ge [sflag:s10], $0x4F0  }
0x2a: {  	[sflag:s10] =	ssyncset.done $0x0  }
0x2b: {  	[sflag:s10] =	ssyncadd.s32 $0xFFFFFB10  }
0x2c: {  	_ =	sfence.sel $0x180000  }
0x2d: {  	[bflag:$0x0] =	sbarrier.arrive $0xFFFF  }
0x2e: {  	p0 =	sne.s32 s0, $0x0;
	_ =	strace $0x90000047  }
0x2f: {  	s0 =	sadd.s32 @!p0 $0x100000, s1;
	[bflag:$0x2] =	sbarrier.arrive $0xFFFF  }
0x30: {  	[sflag:s0] =	ssyncadd.tile.s32 @!p0 $0x1;
	_ =	shalt  }
.Lfunc_end2:
_tile_overlayer_lowered:
.L_overlay_start_2:
0x31: {  	(tag) =	ssettag $0x2  }
0x32: {  	s0 =	rddreg [dreg:$0x0];
	s2 =	stileid.u32  }
0x33: {  	s1 =	rddreg [dreg:$0x1];
	p0 =	sne.s32 s2, $0x0  }
0x34: {  	s3 =	rddreg [dreg:$0x2];
	[bflag:$0x3] =	sbarrier.arrive $0xFFFF;
	s2 =	simm.s32 @!p0 $0x1C01  }
0x35: {  	[timem:s3], [sflag:s2] =	dma.local @!p0 [hbm:s0], s1  }
0x36: {  	s0 =	simm.s32 @!p0 $0x1  }
0x37: {  	_ =	swait.ge @!p0 [sflag:s0], s1  }
0x38: {  	s1 =	ssub.s32 @!p0 $0x0, s1;
	[sflag:s0] =	ssyncset.done @!p0 $0x0  }
0x39: {  	[sflag:s0] =	ssyncadd.s32 @!p0 s1  }
0x3a: {  	[bflag:$0x3] =	sbarrier.arrive $0xFFFF  }
0x3b: {  	_ =	shalt  }

</sc_bundles>
